<compile_context>
chip_gen: v7x
topology: tpu7x:2x2x1
jax: 0.10.2.dev20260603
libtpu: 0.0.44.dev20260713+nightly
codegen_flags: <defaults>
</compile_context>

<pallas_src>
import functools

import jax
import jax.numpy as jnp
from jax import lax
from jax.experimental import pallas as pl
from jax.experimental.pallas import tpu as pltpu
from jax.experimental.pallas import tpu_sc as plsc

N_E = 1024
E_DIM = 64
BETA = 0.25
ROWS = 32768
BLK = 1024
IMG = 4
GRID = ROWS // (BLK * IMG)
NW = 32
B_PER_W = ROWS // NW


def _vq_block(z_ref, zn_ref, en_ref, emb_ref,
              idx_ref, lp_ref):
    en = en_ref[...]
    lp = jnp.zeros((), jnp.float32)
    for k in range(IMG):
        zb = z_ref[k]
        zn = zn_ref[k]
        sT = jnp.dot(emb_ref[...], zb, preferred_element_type=jnp.float32)
        d = (zn + en) - 2.0 * sT
        m = jnp.min(d, axis=0, keepdims=True)
        iota = jax.lax.broadcasted_iota(jnp.int32, (N_E, BLK), 0)
        big = jnp.int32(N_E)
        idxv = jnp.min(jnp.where(d == m, iota, big), axis=0)
        idx_ref[k, 0, :] = idxv
        lp = lp + jnp.sum(m)
    lp_ref[...] = lp[None, None, None]


def _sc_gather(table_hbm, idx_hbm, out_hbm, idx_v, rows_v, sem):
    wid = lax.axis_index("s") * 2 + lax.axis_index("c")
    for t in range(2):
        base = wid * B_PER_W + t * (B_PER_W // 2)
        pltpu.sync_copy(idx_hbm.at[pl.ds(base, B_PER_W // 2)], idx_v)
        pltpu.async_copy(table_hbm.at[idx_v], rows_v, sem).wait()
        pltpu.sync_copy(rows_v, out_hbm.at[pl.ds(base, B_PER_W // 2)])


def kernel(z, embedding):
    b, c, h, w = z.shape
    z_r = z.reshape(b, c, h * w)
    zf = jnp.transpose(z, (0, 2, 3, 1)).reshape(-1, E_DIM)
    zn = jnp.sum(zf ** 2, axis=1, keepdims=True).reshape(b, 1, BLK)
    en = jnp.sum(embedding ** 2, axis=1)[:, None]

    idx3, lparts = pl.pallas_call(
        _vq_block,
        grid=(GRID,),
        in_specs=[
            pl.BlockSpec((IMG, E_DIM, BLK), lambda i: (i, 0, 0)),
            pl.BlockSpec((IMG, 1, BLK), lambda i: (i, 0, 0)),
            pl.BlockSpec((N_E, 1), lambda i: (0, 0)),
            pl.BlockSpec((N_E, E_DIM), lambda i: (0, 0)),
        ],
        out_specs=[
            pl.BlockSpec((IMG, 1, BLK), lambda i: (i, 0, 0)),
            pl.BlockSpec((1, 1, 1), lambda i: (i, 0, 0)),
        ],
        out_shape=[
            jax.ShapeDtypeStruct((b, 1, BLK), jnp.int32),
            jax.ShapeDtypeStruct((GRID, 1, 1), jnp.float32),
        ],
    )(z_r, zn, en, embedding)

    min_encoding_indices = idx3.reshape(ROWS)

    mesh = plsc.VectorSubcoreMesh(core_axis_name="c", subcore_axis_name="s")
    gather = functools.partial(
        pl.kernel,
        out_type=jax.ShapeDtypeStruct((ROWS, 128), jnp.float32),
        mesh=mesh,
        scratch_types=[
            pltpu.VMEM((B_PER_W // 2,), jnp.int32),
            pltpu.VMEM((B_PER_W // 2, 128), jnp.float32),
            pltpu.SemaphoreType.DMA,
        ],
    )(_sc_gather)
    table_p = jnp.concatenate(
        [embedding, jnp.zeros((N_E, 128 - E_DIM), jnp.float32)], axis=1)
    rows = gather(table_p, min_encoding_indices)[:, :E_DIM]

    mean_sq = jnp.sum(lparts) / (ROWS * E_DIM)
    loss = BETA * mean_sq + mean_sq
    z_q_out = jnp.transpose(rows.reshape(b, h, w, c), (0, 3, 1, 2))
    return z_q_out, loss, min_encoding_indices

# --- scband reference (transcript-rebuilt; emitter-appended) ---
"""Pipeline reference for scband-vector-quantizer-2-dcb-35639638622553 (READ-ONLY COPY).

The authoritative reference and input builder live on the scoring server;
editing this copy changes nothing except your own understanding.
"""

import jax, jax.numpy as jnp
import numpy as np

N_E = 1024
E_DIM = 64
BETA = 0.25

def setup_inputs(seed: int = 0) -> dict:
    key = jax.random.key(seed)
    k1, k2 = jax.random.split(key)
    z = jax.random.normal(k1, (32, 64, 32, 32), dtype=jnp.float32)
    # Codebook.init(): uniform(-1/entry_num, 1/entry_num)
    embedding = jax.random.uniform(k2, (N_E, E_DIM), dtype=jnp.float32,
                                   minval=-1.0 / N_E, maxval=1.0 / N_E)
    return {"z": z, "embedding": embedding}

def reference(z, embedding):
    b, c, h, w = z.shape
    # rearrange 'b c h w -> b h w c'
    zp = jnp.transpose(z, (0, 2, 3, 1))
    z_flattened = zp.reshape(-1, E_DIM)
    # squared L2 distances: ||z||^2 + ||e||^2 - 2 z e^T
    d = (jnp.sum(z_flattened ** 2, axis=1, keepdims=True)
         + jnp.sum(embedding ** 2, axis=1)[None, :]
         - 2.0 * (z_flattened @ embedding.T))
    min_encoding_indices = jnp.argmin(d, axis=1)
    z_q = jnp.take(embedding, min_encoding_indices, axis=0).reshape(zp.shape)
    # VQ loss (legacy=False): beta * codebook-commit + embedding term
    loss = (BETA * jnp.mean((jax.lax.stop_gradient(z_q) - zp) ** 2)
            + jnp.mean((z_q - jax.lax.stop_gradient(zp)) ** 2))
    # straight-through estimator
    z_q_st = zp + jax.lax.stop_gradient(z_q - zp)
    # rearrange back 'b h w c -> b c h w'
    z_q_out = jnp.transpose(z_q_st, (0, 3, 1, 2))
    return z_q_out, loss, min_encoding_indices

if __name__ == "__main__":
    import jax
    _d = setup_inputs()
    print(jax.jit(kernel)(*tuple(_d.values())))

</pallas_src>

<mosaic_0001>
#map = affine_map<(d0, d1) -> (0, 0)>
#map1 = affine_map<(d0, d1) -> (0)>
module attributes {stable_mosaic.version = 14 : i64} {
  func.func @_sc_gather(%arg0: i32, %arg1: i32, %arg2: memref<1024x128xf32, #tpu.memory_space<hbm>>, %arg3: memref<32768xi32, #tpu.memory_space<hbm>>, %arg4: memref<32768x128xf32, #tpu.memory_space<hbm>>, %arg5: memref<512xi32, #tpu.memory_space<vmem>>, %arg6: memref<512x128xf32, #tpu.memory_space<vmem>>, %arg7: memref<!tpu.dma_semaphore, #tpu.memory_space<semaphore_mem>>) attributes {dimension_semantics = [#tpu.dimension_semantics<core_parallel>, #tpu.dimension_semantics<subcore_parallel>], iteration_bounds = array<i64: 2, 16>, scalar_prefetch = 0 : i64, scratch_operands = 3 : i64, tpu.core_type = #tpu.core_type<sc_vector_subcore>, window_params = [{transform_indices = #map}, {transform_indices = #map1}, {transform_indices = #map}]} {
    %mul3A = arith.constant 2 : i32
    %mul3A_0 = arith.muli %arg1, %mul3A : i32
    %add3A = arith.addi %mul3A_0, %arg0 : i32
    %mul3A_1 = arith.constant 1024 : i32
    %mul3A_2 = arith.muli %add3A, %mul3A_1 : i32
    %add3A_3 = arith.constant 0 : i32
    %add3A_4 = arith.addi %mul3A_2, %add3A_3 : i32
    "tpu.region"() ({
      %run_scoped3A = tpu.sem_alloc : memref<!tpu.dma_semaphore, #tpu.memory_space<semaphore_mem>>
      %dma_start3A_19 = tpu.memref_slice %arg3[%add3A_4] : memref<32768xi32, #tpu.memory_space<hbm>> -> memref<512xi32, #tpu.memory_space<hbm>>
      %dma_start3A_20 = tpu.memref_slice %arg3[%add3A_4] : memref<32768xi32, #tpu.memory_space<hbm>> -> memref<512xi32, #tpu.memory_space<hbm>>
      tpu.enqueue_dma source(%dma_start3A_20 : memref<512xi32, #tpu.memory_space<hbm>>) target(%arg5 : memref<512xi32, #tpu.memory_space<vmem>>) target_semaphore(%run_scoped3A : memref<!tpu.dma_semaphore, #tpu.memory_space<semaphore_mem>>)
      %dma_wait3A_21 = tpu.memref_slice %arg3[%add3A_4] : memref<32768xi32, #tpu.memory_space<hbm>> -> memref<512xi32, #tpu.memory_space<hbm>>
      %dma_wait3A_22 = tpu.memref_slice %arg3[%add3A_4] : memref<32768xi32, #tpu.memory_space<hbm>> -> memref<512xi32, #tpu.memory_space<hbm>>
      tpu.wait_dma2 semaphore(%run_scoped3A : memref<!tpu.dma_semaphore, #tpu.memory_space<semaphore_mem>>) src(%dma_wait3A_22 : memref<512xi32, #tpu.memory_space<hbm>>) dst(%arg5 : memref<512xi32, #tpu.memory_space<vmem>>)
      tpu.yield
    }) : () -> ()
    %dma_start3A = arith.constant 0 : i32
    %dma_start3A_5 = arith.constant 0 : i32
    %dma_start3A_6 = tpu.memref_slice %arg2[%dma_start3A, %dma_start3A_5] : memref<1024x128xf32, #tpu.memory_space<hbm>> -> memref<1024x128xf32, #tpu.memory_space<hbm>>
    tpu.enqueue_indirect_dma source(%dma_start3A_6 : memref<1024x128xf32, #tpu.memory_space<hbm>>) target(%arg6 : memref<512x128xf32, #tpu.memory_space<vmem>>) offsets(%arg5 : memref<512xi32, #tpu.memory_space<vmem>>) semaphore(%arg7 : memref<!tpu.dma_semaphore, #tpu.memory_space<semaphore_mem>>)
    %dma_wait3A = arith.constant 0 : i32
    %dma_wait3A_7 = arith.constant 0 : i32
    %dma_wait3A_8 = tpu.memref_slice %arg2[%dma_wait3A, %dma_wait3A_7] : memref<1024x128xf32, #tpu.memory_space<hbm>> -> memref<1024x128xf32, #tpu.memory_space<hbm>>
    tpu.wait_indirect_dma semaphore(%arg7 : memref<!tpu.dma_semaphore, #tpu.memory_space<semaphore_mem>>) src(%dma_wait3A_8 : memref<1024x128xf32, #tpu.memory_space<hbm>>) dst(%arg6 : memref<512x128xf32, #tpu.memory_space<vmem>>)
    "tpu.region"() ({
      %run_scoped3A = tpu.sem_alloc : memref<!tpu.dma_semaphore, #tpu.memory_space<semaphore_mem>>
      %dma_start3A_19 = arith.constant 0 : i32
      %dma_start3A_20 = tpu.memref_slice %arg4[%add3A_4, %dma_start3A_19] : memref<32768x128xf32, #tpu.memory_space<hbm>> -> memref<512x128xf32, #tpu.memory_space<hbm>>
      %dma_start3A_21 = arith.constant 0 : i32
      %dma_start3A_22 = tpu.memref_slice %arg4[%add3A_4, %dma_start3A_21] : memref<32768x128xf32, #tpu.memory_space<hbm>> -> memref<512x128xf32, #tpu.memory_space<hbm>>
      tpu.enqueue_dma source(%arg6 : memref<512x128xf32, #tpu.memory_space<vmem>>) target(%dma_start3A_22 : memref<512x128xf32, #tpu.memory_space<hbm>>) target_semaphore(%run_scoped3A : memref<!tpu.dma_semaphore, #tpu.memory_space<semaphore_mem>>)
      %dma_wait3A_23 = arith.constant 0 : i32
      %dma_wait3A_24 = tpu.memref_slice %arg4[%add3A_4, %dma_wait3A_23] : memref<32768x128xf32, #tpu.memory_space<hbm>> -> memref<512x128xf32, #tpu.memory_space<hbm>>
      %dma_wait3A_25 = arith.constant 0 : i32
      %dma_wait3A_26 = tpu.memref_slice %arg4[%add3A_4, %dma_wait3A_25] : memref<32768x128xf32, #tpu.memory_space<hbm>> -> memref<512x128xf32, #tpu.memory_space<hbm>>
      tpu.wait_dma2 semaphore(%run_scoped3A : memref<!tpu.dma_semaphore, #tpu.memory_space<semaphore_mem>>) src(%arg6 : memref<512x128xf32, #tpu.memory_space<vmem>>) dst(%dma_wait3A_26 : memref<512x128xf32, #tpu.memory_space<hbm>>)
      tpu.yield
    }) : () -> ()
    %mul3A_9 = arith.constant 1024 : i32
    %mul3A_10 = arith.muli %add3A, %mul3A_9 : i32
    %add3A_11 = arith.constant 512 : i32
    %add3A_12 = arith.addi %mul3A_10, %add3A_11 : i32
    "tpu.region"() ({
      %run_scoped3A = tpu.sem_alloc : memref<!tpu.dma_semaphore, #tpu.memory_space<semaphore_mem>>
      %dma_start3A_19 = tpu.memref_slice %arg3[%add3A_12] : memref<32768xi32, #tpu.memory_space<hbm>> -> memref<512xi32, #tpu.memory_space<hbm>>
      %dma_start3A_20 = tpu.memref_slice %arg3[%add3A_12] : memref<32768xi32, #tpu.memory_space<hbm>> -> memref<512xi32, #tpu.memory_space<hbm>>
      tpu.enqueue_dma source(%dma_start3A_20 : memref<512xi32, #tpu.memory_space<hbm>>) target(%arg5 : memref<512xi32, #tpu.memory_space<vmem>>) target_semaphore(%run_scoped3A : memref<!tpu.dma_semaphore, #tpu.memory_space<semaphore_mem>>)
      %dma_wait3A_21 = tpu.memref_slice %arg3[%add3A_12] : memref<32768xi32, #tpu.memory_space<hbm>> -> memref<512xi32, #tpu.memory_space<hbm>>
      %dma_wait3A_22 = tpu.memref_slice %arg3[%add3A_12] : memref<32768xi32, #tpu.memory_space<hbm>> -> memref<512xi32, #tpu.memory_space<hbm>>
      tpu.wait_dma2 semaphore(%run_scoped3A : memref<!tpu.dma_semaphore, #tpu.memory_space<semaphore_mem>>) src(%dma_wait3A_22 : memref<512xi32, #tpu.memory_space<hbm>>) dst(%arg5 : memref<512xi32, #tpu.memory_space<vmem>>)
      tpu.yield
    }) : () -> ()
    %dma_start3A_13 = arith.constant 0 : i32
    %dma_start3A_14 = arith.constant 0 : i32
    %dma_start3A_15 = tpu.memref_slice %arg2[%dma_start3A_13, %dma_start3A_14] : memref<1024x128xf32, #tpu.memory_space<hbm>> -> memref<1024x128xf32, #tpu.memory_space<hbm>>
    tpu.enqueue_indirect_dma source(%dma_start3A_15 : memref<1024x128xf32, #tpu.memory_space<hbm>>) target(%arg6 : memref<512x128xf32, #tpu.memory_space<vmem>>) offsets(%arg5 : memref<512xi32, #tpu.memory_space<vmem>>) semaphore(%arg7 : memref<!tpu.dma_semaphore, #tpu.memory_space<semaphore_mem>>)
    %dma_wait3A_16 = arith.constant 0 : i32
    %dma_wait3A_17 = arith.constant 0 : i32
    %dma_wait3A_18 = tpu.memref_slice %arg2[%dma_wait3A_16, %dma_wait3A_17] : memref<1024x128xf32, #tpu.memory_space<hbm>> -> memref<1024x128xf32, #tpu.memory_space<hbm>>
    tpu.wait_indirect_dma semaphore(%arg7 : memref<!tpu.dma_semaphore, #tpu.memory_space<semaphore_mem>>) src(%dma_wait3A_18 : memref<1024x128xf32, #tpu.memory_space<hbm>>) dst(%arg6 : memref<512x128xf32, #tpu.memory_space<vmem>>)
    "tpu.region"() ({
      %run_scoped3A = tpu.sem_alloc : memref<!tpu.dma_semaphore, #tpu.memory_space<semaphore_mem>>
      %dma_start3A_19 = arith.constant 0 : i32
      %dma_start3A_20 = tpu.memref_slice %arg4[%add3A_12, %dma_start3A_19] : memref<32768x128xf32, #tpu.memory_space<hbm>> -> memref<512x128xf32, #tpu.memory_space<hbm>>
      %dma_start3A_21 = arith.constant 0 : i32
      %dma_start3A_22 = tpu.memref_slice %arg4[%add3A_12, %dma_start3A_21] : memref<32768x128xf32, #tpu.memory_space<hbm>> -> memref<512x128xf32, #tpu.memory_space<hbm>>
      tpu.enqueue_dma source(%arg6 : memref<512x128xf32, #tpu.memory_space<vmem>>) target(%dma_start3A_22 : memref<512x128xf32, #tpu.memory_space<hbm>>) target_semaphore(%run_scoped3A : memref<!tpu.dma_semaphore, #tpu.memory_space<semaphore_mem>>)
      %dma_wait3A_23 = arith.constant 0 : i32
      %dma_wait3A_24 = tpu.memref_slice %arg4[%add3A_12, %dma_wait3A_23] : memref<32768x128xf32, #tpu.memory_space<hbm>> -> memref<512x128xf32, #tpu.memory_space<hbm>>
      %dma_wait3A_25 = arith.constant 0 : i32
      %dma_wait3A_26 = tpu.memref_slice %arg4[%add3A_12, %dma_wait3A_25] : memref<32768x128xf32, #tpu.memory_space<hbm>> -> memref<512x128xf32, #tpu.memory_space<hbm>>
      tpu.wait_dma2 semaphore(%run_scoped3A : memref<!tpu.dma_semaphore, #tpu.memory_space<semaphore_mem>>) src(%arg6 : memref<512x128xf32, #tpu.memory_space<vmem>>) dst(%dma_wait3A_26 : memref<512x128xf32, #tpu.memory_space<hbm>>)
      tpu.yield
    }) : () -> ()
    return
  }
}

module attributes {stable_mosaic.version = 14 : i64} {
  func.func @_vq_block(%arg0: i32, %arg1: memref<4x64x1024xf32, #tpu.memory_space<vmem>>, %arg2: memref<4x1x1024xf32, #tpu.memory_space<vmem>>, %arg3: memref<1024x1xf32, #tpu.memory_space<vmem>>, %arg4: memref<1024x64xf32, #tpu.memory_space<vmem>>, %arg5: memref<4x1x1024xi32, #tpu.memory_space<vmem>>, %arg6: memref<1x1x1xf32, #tpu.memory_space<vmem>>) attributes {dimension_semantics = [#tpu.dimension_semantics<arbitrary>], iteration_bounds = array<i64: 8>, scalar_prefetch = 0 : i64, scratch_operands = 0 : i64, tpu.core_type = #tpu.core_type<tc>, window_params = [{transform_indices = @transform_0, window_bounds = array<i64: 4, 64, 1024>}, {transform_indices = @transform_1, window_bounds = array<i64: 4, 1, 1024>}, {pipeline_mode = #tpu.pipeline_mode<synchronous>, transform_indices = @transform_2, window_bounds = array<i64: 1024, 1>}, {pipeline_mode = #tpu.pipeline_mode<synchronous>, transform_indices = @transform_3, window_bounds = array<i64: 1024, 64>}, {transform_indices = @transform_4, window_bounds = array<i64: 4, 1, 1024>}, {transform_indices = @transform_5, window_bounds = array<i64: 1, 1, 1>}]} {
    %get3A = arith.constant 0 : index
    %get3A_0 = arith.constant 0 : index
    %get3A_1 = vector.load %arg3[%get3A, %get3A_0] : memref<1024x1xf32, #tpu.memory_space<vmem>>, vector<1024x1xf32>
    %get3A_2 = arith.constant 0 : index
    %get3A_3 = arith.constant 0 : index
    %get3A_4 = arith.constant 0 : index
    %get3A_5 = vector.load %arg1[%get3A_2, %get3A_3, %get3A_4] : memref<4x64x1024xf32, #tpu.memory_space<vmem>>, vector<1x64x1024xf32>
    %get3A_6 = vector.shape_cast %get3A_5 : vector<1x64x1024xf32> to vector<64x1024xf32>
    %get3A_7 = arith.constant 0 : index
    %get3A_8 = arith.constant 0 : index
    %get3A_9 = arith.constant 0 : index
    %get3A_10 = vector.load %arg2[%get3A_7, %get3A_8, %get3A_9] : memref<4x1x1024xf32, #tpu.memory_space<vmem>>, vector<1x1x1024xf32>
    %get3A_11 = vector.shape_cast %get3A_10 : vector<1x1x1024xf32> to vector<1x1024xf32>
    %get3A_12 = arith.constant 0 : index
    %get3A_13 = arith.constant 0 : index
    %get3A_14 = vector.load %arg4[%get3A_12, %get3A_13] : memref<1024x64xf32, #tpu.memory_space<vmem>>, vector<1024x64xf32>
    %dot_general3A = arith.constant dense<0.000000e+00> : vector<1024x1024xf32>
    %dot_general3A_15 = tpu.matmul %get3A_14, %get3A_6, %dot_general3A {dimension_numbers = #tpu.dot_dimension_numbers<[1], [0], [0], [1], [0, 0, 1, 1], [], []>, transpose_lhs_hint = false} : vector<1024x64xf32>, vector<64x1024xf32>, vector<1024x1024xf32> -> vector<1024x1024xf32>
    %add3A = vector.broadcast %get3A_11 : vector<1x1024xf32> to vector<1024x1024xf32>
    %add3A_16 = vector.broadcast %get3A_1 : vector<1024x1xf32> to vector<1024x1024xf32>
    %add3A_17 = arith.addf %add3A, %add3A_16 : vector<1024x1024xf32>
    %mul3A = arith.constant 2.000000e+00 : f32
    %mul3A_18 = vector.broadcast %mul3A : f32 to vector<1024x1024xf32>
    %mul3A_19 = arith.mulf %mul3A_18, %dot_general3A_15 : vector<1024x1024xf32>
    %sub3A = arith.subf %add3A_17, %mul3A_19 : vector<1024x1024xf32>
    %reduce_min3A = arith.constant dense<0x7F800000> : vector<1024xf32>
    %reduce_min3A_20 = vector.multi_reduction <minimumf>, %sub3A, %reduce_min3A [0] : vector<1024x1024xf32> to vector<1024xf32>
    %broadcast_in_dim3A = vector.shape_cast %reduce_min3A_20 : vector<1024xf32> to vector<1x1024xf32>
    %iota3A = tpu.iota {dimensions = array<i32: 0>} : vector<1024x1024xi32>
    %eq3A = vector.broadcast %broadcast_in_dim3A : vector<1x1024xf32> to vector<1024x1024xf32>
    %eq3A_21 = arith.cmpf oeq, %sub3A, %eq3A : vector<1024x1024xf32>
    %jit3A = arith.constant 1024 : i32
    %broadcast_in_dim3A_22 = vector.broadcast %jit3A : i32 to vector<1024x1024xi32>
    %select_n3A = arith.select %eq3A_21, %iota3A, %broadcast_in_dim3A_22 : vector<1024x1024xi1>, vector<1024x1024xi32>
    %reduce_min3A_23 = arith.constant dense<2147483647> : vector<1024xi32>
    %reduce_min3A_24 = vector.multi_reduction <minsi>, %select_n3A, %reduce_min3A_23 [0] : vector<1024x1024xi32> to vector<1024xi32>
    %swap3A = arith.constant 0 : index
    %swap3A_25 = arith.constant 0 : index
    %swap3A_26 = arith.constant 0 : index
    %swap3A_27 = vector.load %arg5[%swap3A, %swap3A_25, %swap3A_26] : memref<4x1x1024xi32, #tpu.memory_space<vmem>>, vector<1x1x1024xi32>
    %swap3A_28 = vector.shape_cast %swap3A_27 : vector<1x1x1024xi32> to vector<1024xi32>
    %swap3A_29 = vector.shape_cast %reduce_min3A_24 : vector<1024xi32> to vector<1x1x1024xi32>
    tpu.vector_store %arg5[%swap3A, %swap3A_25, %swap3A_26], %swap3A_29 {strides = array<i32>} : memref<4x1x1024xi32, #tpu.memory_space<vmem>>, vector<1x1x1024xi32>,
    %reduce_sum3A = vector.shape_cast %broadcast_in_dim3A : vector<1x1024xf32> to vector<1x1x1024xf32>
    %reduce_sum3A_30 = arith.constant dense<0.000000e+00> : vector<1xf32>
    %reduce_sum3A_31 = vector.multi_reduction <add>, %reduce_sum3A, %reduce_sum3A_30 [1, 2] : vector<1x1x1024xf32> to vector<1xf32>
    %reduce_sum3A_32 = vector.shape_cast %reduce_sum3A_31 : vector<1xf32> to vector<1x1x1xf32>
    %reduce_sum3A_33 = vector.extract %reduce_sum3A_32[0, 0, 0] : f32 from vector<1x1x1xf32>
    %add3A_34 = arith.constant 0.000000e+00 : f32
    %add3A_35 = arith.addf %add3A_34, %reduce_sum3A_33 : f32
    %get3A_36 = arith.constant 1 : index
    %get3A_37 = arith.constant 0 : index
    %get3A_38 = arith.constant 0 : index
    %get3A_39 = vector.load %arg1[%get3A_36, %get3A_37, %get3A_38] : memref<4x64x1024xf32, #tpu.memory_space<vmem>>, vector<1x64x1024xf32>
    %get3A_40 = vector.shape_cast %get3A_39 : vector<1x64x1024xf32> to vector<64x1024xf32>
    %get3A_41 = arith.constant 1 : index
    %get3A_42 = arith.constant 0 : index
    %get3A_43 = arith.constant 0 : index
    %get3A_44 = vector.load %arg2[%get3A_41, %get3A_42, %get3A_43] : memref<4x1x1024xf32, #tpu.memory_space<vmem>>, vector<1x1x1024xf32>
    %get3A_45 = vector.shape_cast %get3A_44 : vector<1x1x1024xf32> to vector<1x1024xf32>
    %get3A_46 = arith.constant 0 : index
    %get3A_47 = arith.constant 0 : index
    %get3A_48 = vector.load %arg4[%get3A_46, %get3A_47] : memref<1024x64xf32, #tpu.memory_space<vmem>>, vector<1024x64xf32>
    %dot_general3A_49 = arith.constant dense<0.000000e+00> : vector<1024x1024xf32>
    %dot_general3A_50 = tpu.matmul %get3A_48, %get3A_40, %dot_general3A_49 {dimension_numbers = #tpu.dot_dimension_numbers<[1], [0], [0], [1], [0, 0, 1, 1], [], []>, transpose_lhs_hint = false} : vector<1024x64xf32>, vector<64x1024xf32>, vector<1024x1024xf32> -> vector<1024x1024xf32>
    %add3A_51 = vector.broadcast %get3A_45 : vector<1x1024xf32> to vector<1024x1024xf32>
    %add3A_52 = vector.broadcast %get3A_1 : vector<1024x1xf32> to vector<1024x1024xf32>
    %add3A_53 = arith.addf %add3A_51, %add3A_52 : vector<1024x1024xf32>
    %mul3A_54 = arith.constant 2.000000e+00 : f32
    %mul3A_55 = vector.broadcast %mul3A_54 : f32 to vector<1024x1024xf32>
    %mul3A_56 = arith.mulf %mul3A_55, %dot_general3A_50 : vector<1024x1024xf32>
    %sub3A_57 = arith.subf %add3A_53, %mul3A_56 : vector<1024x1024xf32>
    %reduce_min3A_58 = arith.constant dense<0x7F800000> : vector<1024xf32>
    %reduce_min3A_59 = vector.multi_reduction <minimumf>, %sub3A_57, %reduce_min3A_58 [0] : vector<1024x1024xf32> to vector<1024xf32>
    %broadcast_in_dim3A_60 = vector.shape_cast %reduce_min3A_59 : vector<1024xf32> to vector<1x1024xf32>
    %iota3A_61 = tpu.iota {dimensions = array<i32: 0>} : vector<1024x1024xi32>
    %eq3A_62 = vector.broadcast %broadcast_in_dim3A_60 : vector<1x1024xf32> to vector<1024x1024xf32>
    %eq3A_63 = arith.cmpf oeq, %sub3A_57, %eq3A_62 : vector<1024x1024xf32>
    %jit3A_64 = arith.constant 1024 : i32
    %broadcast_in_dim3A_65 = vector.broadcast %jit3A_64 : i32 to vector<1024x1024xi32>
    %select_n3A_66 = arith.select %eq3A_63, %iota3A_61, %broadcast_in_dim3A_65 : vector<1024x1024xi1>, vector<1024x1024xi32>
    %reduce_min3A_67 = arith.constant dense<2147483647> : vector<1024xi32>
    %reduce_min3A_68 = vector.multi_reduction <minsi>, %select_n3A_66, %reduce_min3A_67 [0] : vector<1024x1024xi32> to vector<1024xi32>
    %swap3A_69 = arith.constant 1 : index
    %swap3A_70 = arith.constant 0 : index
    %swap3A_71 = arith.constant 0 : index
    %swap3A_72 = vector.load %arg5[%swap3A_69, %swap3A_70, %swap3A_71] : memref<4x1x1024xi32, #tpu.memory_space<vmem>>, vector<1x1x1024xi32>
    %swap3A_73 = vector.shape_cast %swap3A_72 : vector<1x1x1024xi32> to vector<1024xi32>
    %swap3A_74 = vector.shape_cast %reduce_min3A_68 : vector<1024xi32> to vector<1x1x1024xi32>
    tpu.vector_store %arg5[%swap3A_69, %swap3A_70, %swap3A_71], %swap3A_74 {strides = array<i32>} : memref<4x1x1024xi32, #tpu.memory_space<vmem>>, vector<1x1x1024xi32>,
    %reduce_sum3A_75 = vector.shape_cast %broadcast_in_dim3A_60 : vector<1x1024xf32> to vector<1x1x1024xf32>
    %reduce_sum3A_76 = arith.constant dense<0.000000e+00> : vector<1xf32>
    %reduce_sum3A_77 = vector.multi_reduction <add>, %reduce_sum3A_75, %reduce_sum3A_76 [1, 2] : vector<1x1x1024xf32> to vector<1xf32>
    %reduce_sum3A_78 = vector.shape_cast %reduce_sum3A_77 : vector<1xf32> to vector<1x1x1xf32>
    %reduce_sum3A_79 = vector.extract %reduce_sum3A_78[0, 0, 0] : f32 from vector<1x1x1xf32>
    %add3A_80 = arith.addf %add3A_35, %reduce_sum3A_79 : f32
    %get3A_81 = arith.constant 2 : index
    %get3A_82 = arith.constant 0 : index
    %get3A_83 = arith.constant 0 : index
    %get3A_84 = vector.load %arg1[%get3A_81, %get3A_82, %get3A_83] : memref<4x64x1024xf32, #tpu.memory_space<vmem>>, vector<1x64x1024xf32>
    %get3A_85 = vector.shape_cast %get3A_84 : vector<1x64x1024xf32> to vector<64x1024xf32>
    %get3A_86 = arith.constant 2 : index
    %get3A_87 = arith.constant 0 : index
    %get3A_88 = arith.constant 0 : index
    %get3A_89 = vector.load %arg2[%get3A_86, %get3A_87, %get3A_88] : memref<4x1x1024xf32, #tpu.memory_space<vmem>>, vector<1x1x1024xf32>
    %get3A_90 = vector.shape_cast %get3A_89 : vector<1x1x1024xf32> to vector<1x1024xf32>
    %get3A_91 = arith.constant 0 : index
    %get3A_92 = arith.constant 0 : index
    %get3A_93 = vector.load %arg4[%get3A_91, %get3A_92] : memref<1024x64xf32, #tpu.memory_space<vmem>>, vector<1024x64xf32>
    %dot_general3A_94 = arith.constant dense<0.000000e+00> : vector<1024x1024xf32>
    %dot_general3A_95 = tpu.matmul %get3A_93, %get3A_85, %dot_general3A_94 {dimension_numbers = #tpu.dot_dimension_numbers<[1], [0], [0], [1], [0, 0, 1, 1], [], []>, transpose_lhs_hint = false} : vector<1024x64xf32>, vector<64x1024xf32>, vector<1024x1024xf32> -> vector<1024x1024xf32>
    %add3A_96 = vector.broadcast %get3A_90 : vector<1x1024xf32> to vector<1024x1024xf32>
    %add3A_97 = vector.broadcast %get3A_1 : vector<1024x1xf32> to vector<1024x1024xf32>
    %add3A_98 = arith.addf %add3A_96, %add3A_97 : vector<1024x1024xf32>
    %mul3A_99 = arith.constant 2.000000e+00 : f32
    %mul3A_100 = vector.broadcast %mul3A_99 : f32 to vector<1024x1024xf32>
    %mul3A_101 = arith.mulf %mul3A_100, %dot_general3A_95 : vector<1024x1024xf32>
    %sub3A_102 = arith.subf %add3A_98, %mul3A_101 : vector<1024x1024xf32>
    %reduce_min3A_103 = arith.constant dense<0x7F800000> : vector<1024xf32>
    %reduce_min3A_104 = vector.multi_reduction <minimumf>, %sub3A_102, %reduce_min3A_103 [0] : vector<1024x1024xf32> to vector<1024xf32>
    %broadcast_in_dim3A_105 = vector.shape_cast %reduce_min3A_104 : vector<1024xf32> to vector<1x1024xf32>
    %iota3A_106 = tpu.iota {dimensions = array<i32: 0>} : vector<1024x1024xi32>
    %eq3A_107 = vector.broadcast %broadcast_in_dim3A_105 : vector<1x1024xf32> to vector<1024x1024xf32>
    %eq3A_108 = arith.cmpf oeq, %sub3A_102, %eq3A_107 : vector<1024x1024xf32>
    %jit3A_109 = arith.constant 1024 : i32
    %broadcast_in_dim3A_110 = vector.broadcast %jit3A_109 : i32 to vector<1024x1024xi32>
    %select_n3A_111 = arith.select %eq3A_108, %iota3A_106, %broadcast_in_dim3A_110 : vector<1024x1024xi1>, vector<1024x1024xi32>
    %reduce_min3A_112 = arith.constant dense<2147483647> : vector<1024xi32>
    %reduce_min3A_113 = vector.multi_reduction <minsi>, %select_n3A_111, %reduce_min3A_112 [0] : vector<1024x1024xi32> to vector<1024xi32>
    %swap3A_114 = arith.constant 2 : index
    %swap3A_115 = arith.constant 0 : index
    %swap3A_116 = arith.constant 0 : index
    %swap3A_117 = vector.load %arg5[%swap3A_114, %swap3A_115, %swap3A_116] : memref<4x1x1024xi32, #tpu.memory_space<vmem>>, vector<1x1x1024xi32>
    %swap3A_118 = vector.shape_cast %swap3A_117 : vector<1x1x1024xi32> to vector<1024xi32>
    %swap3A_119 = vector.shape_cast %reduce_min3A_113 : vector<1024xi32> to vector<1x1x1024xi32>
    tpu.vector_store %arg5[%swap3A_114, %swap3A_115, %swap3A_116], %swap3A_119 {strides = array<i32>} : memref<4x1x1024xi32, #tpu.memory_space<vmem>>, vector<1x1x1024xi32>,
    %reduce_sum3A_120 = vector.shape_cast %broadcast_in_dim3A_105 : vector<1x1024xf32> to vector<1x1x1024xf32>
    %reduce_sum3A_121 = arith.constant dense<0.000000e+00> : vector<1xf32>
    %reduce_sum3A_122 = vector.multi_reduction <add>, %reduce_sum3A_120, %reduce_sum3A_121 [1, 2] : vector<1x1x1024xf32> to vector<1xf32>
    %reduce_sum3A_123 = vector.shape_cast %reduce_sum3A_122 : vector<1xf32> to vector<1x1x1xf32>
    %reduce_sum3A_124 = vector.extract %reduce_sum3A_123[0, 0, 0] : f32 from vector<1x1x1xf32>
    %add3A_125 = arith.addf %add3A_80, %reduce_sum3A_124 : f32
    %get3A_126 = arith.constant 3 : index
    %get3A_127 = arith.constant 0 : index
    %get3A_128 = arith.constant 0 : index
    %get3A_129 = vector.load %arg1[%get3A_126, %get3A_127, %get3A_128] : memref<4x64x1024xf32, #tpu.memory_space<vmem>>, vector<1x64x1024xf32>
    %get3A_130 = vector.shape_cast %get3A_129 : vector<1x64x1024xf32> to vector<64x1024xf32>
    %get3A_131 = arith.constant 3 : index
    %get3A_132 = arith.constant 0 : index
    %get3A_133 = arith.constant 0 : index
    %get3A_134 = vector.load %arg2[%get3A_131, %get3A_132, %get3A_133] : memref<4x1x1024xf32, #tpu.memory_space<vmem>>, vector<1x1x1024xf32>
    %get3A_135 = vector.shape_cast %get3A_134 : vector<1x1x1024xf32> to vector<1x1024xf32>
    %get3A_136 = arith.constant 0 : index
    %get3A_137 = arith.constant 0 : index
    %get3A_138 = vector.load %arg4[%get3A_136, %get3A_137] : memref<1024x64xf32, #tpu.memory_space<vmem>>, vector<1024x64xf32>
    %dot_general3A_139 = arith.constant dense<0.000000e+00> : vector<1024x1024xf32>
    %dot_general3A_140 = tpu.matmul %get3A_138, %get3A_130, %dot_general3A_139 {dimension_numbers = #tpu.dot_dimension_numbers<[1], [0], [0], [1], [0, 0, 1, 1], [], []>, transpose_lhs_hint = false} : vector<1024x64xf32>, vector<64x1024xf32>, vector<1024x1024xf32> -> vector<1024x1024xf32>
    %add3A_141 = vector.broadcast %get3A_135 : vector<1x1024xf32> to vector<1024x1024xf32>
    %add3A_142 = vector.broadcast %get3A_1 : vector<1024x1xf32> to vector<1024x1024xf32>
    %add3A_143 = arith.addf %add3A_141, %add3A_142 : vector<1024x1024xf32>
    %mul3A_144 = arith.constant 2.000000e+00 : f32
    %mul3A_145 = vector.broadcast %mul3A_144 : f32 to vector<1024x1024xf32>
    %mul3A_146 = arith.mulf %mul3A_145, %dot_general3A_140 : vector<1024x1024xf32>
    %sub3A_147 = arith.subf %add3A_143, %mul3A_146 : vector<1024x1024xf32>
    %reduce_min3A_148 = arith.constant dense<0x7F800000> : vector<1024xf32>
    %reduce_min3A_149 = vector.multi_reduction <minimumf>, %sub3A_147, %reduce_min3A_148 [0] : vector<1024x1024xf32> to vector<1024xf32>
    %broadcast_in_dim3A_150 = vector.shape_cast %reduce_min3A_149 : vector<1024xf32> to vector<1x1024xf32>
    %iota3A_151 = tpu.iota {dimensions = array<i32: 0>} : vector<1024x1024xi32>
    %eq3A_152 = vector.broadcast %broadcast_in_dim3A_150 : vector<1x1024xf32> to vector<1024x1024xf32>
    %eq3A_153 = arith.cmpf oeq, %sub3A_147, %eq3A_152 : vector<1024x1024xf32>
    %jit3A_154 = arith.constant 1024 : i32
    %broadcast_in_dim3A_155 = vector.broadcast %jit3A_154 : i32 to vector<1024x1024xi32>
    %select_n3A_156 = arith.select %eq3A_153, %iota3A_151, %broadcast_in_dim3A_155 : vector<1024x1024xi1>, vector<1024x1024xi32>
    %reduce_min3A_157 = arith.constant dense<2147483647> : vector<1024xi32>
    %reduce_min3A_158 = vector.multi_reduction <minsi>, %select_n3A_156, %reduce_min3A_157 [0] : vector<1024x1024xi32> to vector<1024xi32>
    %swap3A_159 = arith.constant 3 : index
    %swap3A_160 = arith.constant 0 : index
    %swap3A_161 = arith.constant 0 : index
    %swap3A_162 = vector.load %arg5[%swap3A_159, %swap3A_160, %swap3A_161] : memref<4x1x1024xi32, #tpu.memory_space<vmem>>, vector<1x1x1024xi32>
    %swap3A_163 = vector.shape_cast %swap3A_162 : vector<1x1x1024xi32> to vector<1024xi32>
    %swap3A_164 = vector.shape_cast %reduce_min3A_158 : vector<1024xi32> to vector<1x1x1024xi32>
    tpu.vector_store %arg5[%swap3A_159, %swap3A_160, %swap3A_161], %swap3A_164 {strides = array<i32>} : memref<4x1x1024xi32, #tpu.memory_space<vmem>>, vector<1x1x1024xi32>,
    %reduce_sum3A_165 = vector.shape_cast %broadcast_in_dim3A_150 : vector<1x1024xf32> to vector<1x1x1024xf32>
    %reduce_sum3A_166 = arith.constant dense<0.000000e+00> : vector<1xf32>
    %reduce_sum3A_167 = vector.multi_reduction <add>, %reduce_sum3A_165, %reduce_sum3A_166 [1, 2] : vector<1x1x1024xf32> to vector<1xf32>
    %reduce_sum3A_168 = vector.shape_cast %reduce_sum3A_167 : vector<1xf32> to vector<1x1x1xf32>
    %reduce_sum3A_169 = vector.extract %reduce_sum3A_168[0, 0, 0] : f32 from vector<1x1x1xf32>
    %add3A_170 = arith.addf %add3A_125, %reduce_sum3A_169 : f32
    %broadcast_in_dim3A_171 = vector.broadcast %add3A_170 : f32 to vector<1x1x1xf32>
    %swap3A_172 = arith.constant 0 : index
    %swap3A_173 = arith.constant 0 : index
    %swap3A_174 = arith.constant 0 : index
    %swap3A_175 = vector.load %arg6[%swap3A_172, %swap3A_173, %swap3A_174] : memref<1x1x1xf32, #tpu.memory_space<vmem>>, vector<1x1x1xf32>
    tpu.vector_store %arg6[%swap3A_172, %swap3A_173, %swap3A_174], %broadcast_in_dim3A_171 {strides = array<i32>} : memref<1x1x1xf32, #tpu.memory_space<vmem>>, vector<1x1x1xf32>,
    return
  }
  func.func @transform_0(%arg0: i32) -> (i32, i32, i32) {
    %c0_i32 = arith.constant 0 : i32
    %c0_i32_0 = arith.constant 0 : i32
    %c0_i32_1 = arith.constant 0 : i32
    return %arg0, %c0_i32, %c0_i32_0 : i32, i32, i32
  }
  func.func @transform_1(%arg0: i32) -> (i32, i32, i32) {
    %c0_i32 = arith.constant 0 : i32
    %c0_i32_0 = arith.constant 0 : i32
    %c0_i32_1 = arith.constant 0 : i32
    return %arg0, %c0_i32, %c0_i32_0 : i32, i32, i32
  }
  func.func @transform_2(%arg0: i32) -> (i32, i32) {
    %c0_i32 = arith.constant 0 : i32
    %c0_i32_0 = arith.constant 0 : i32
    %c0_i32_1 = arith.constant 0 : i32
    return %c0_i32, %c0_i32_0 : i32, i32
  }
  func.func @transform_3(%arg0: i32) -> (i32, i32) {
    %c0_i32 = arith.constant 0 : i32
    %c0_i32_0 = arith.constant 0 : i32
    %c0_i32_1 = arith.constant 0 : i32
    return %c0_i32, %c0_i32_0 : i32, i32
  }
  func.func @transform_4(%arg0: i32) -> (i32, i32, i32) {
    %c0_i32 = arith.constant 0 : i32
    %c0_i32_0 = arith.constant 0 : i32
    %c0_i32_1 = arith.constant 0 : i32
    return %arg0, %c0_i32, %c0_i32_0 : i32, i32, i32
  }
  func.func @transform_5(%arg0: i32) -> (i32, i32, i32) {
    %c0_i32 = arith.constant 0 : i32
    %c0_i32_0 = arith.constant 0 : i32
    %c0_i32_1 = arith.constant 0 : i32
    return %arg0, %c0_i32, %c0_i32_0 : i32, i32, i32
  }
}

</mosaic_0001>

<sc_bundles>
// kernel: kernel.4.cloned.1.call-start
scs
__scs_entry_jumppad:
0x0: {  	(pc) =	sbr.rel $0x88, $3  }
0x1: {  	(tag) =	ssettag $0x0;
	lr =	simm.s32 $0x1  }
0x2: {  	[smem:$0x3F9F] =	sst lr;
	_ =	strace $0xD0000000  }
0x3: {  	_ = 	snop  }
0x4: {  	_ = 	snop  }
0x5: {  	_ = 	snop  }
0x6: {  	_ = 	snop  }
0x7: {  	_ = 	snop  }
__scs_overlays_trampoline_lowered:
0x8: {  	[smem:$0x3FAE] =	sst s0  }
0x9: {  	[smem:$0x3FAF] =	sst s1  }
0xa: {  	[smem:$0x3FB0] =	sst s2  }
0xb: {  	[smem:$0x3FB1] =	sst s3  }
0xc: {  	[smem:$0x3FB2] =	sst s4  }
0xd: {  	[smem:$0x3FB3] =	sst s5  }
0xe: {  	[smem:$0x3FB4] =	sst s6  }
0xf: {  	[smem:$0x3FB5] =	sst s7  }
0x10: {  	[smem:$0x3FB6] =	sst s8  }
0x11: {  	[smem:$0x3FB7] =	sst s9;
	s0 =	simm.s32 @!p0 $0x0  }
0x12: {  	s1 =	sld [smem:$0x3F9D];
	s0 =	simm.s32 @p0 $0x1  }
0x13: {  	[smem:$0x3FB8] =	sst s0;
	s0 =	simm.s32 @!p1 $0x0  }
0x14: {  	s2 =	sld [smem:$0x3F9C];
	s0 =	simm.s32 @p1 $0x1  }
0x15: {  	[smem:$0x3FB9] =	sst s0;
	s0 =	simm.s32 @!p2 $0x0  }
0x16: {  	s3 =	sld [smem:$0x3FDB];
	s0 =	simm.s32 @p2 $0x1  }
0x17: {  	s4 =	simm.s32 $0x1BF5;
	[smem:$0x3FBB] =	sst s0  }
0x18: {  	s0 =	sld [smem:$0x3F9E];
	_ =	swait.ge [sflag:s4], $0x0  }
0x19: {  	s7 =	sld [smem:$0x3F9F]  }
0x1a: {  	s8 =	sadd.s32 $0xFFFFE003, lr  }
0x1b: {  	s9 =	sadd.s32 $0xFFFFFEF7, lr;
	s5 =	simm.s32 $0xFFFFFFFF;
	p2 =	slt.u32 s8, $0xFFFFF086  }
0x1c: {  	p1 =	slt.u32 s9, $0xF7A;
	s5 =	simm.s32 @!p2 $0x0  }
0x1d: {  	s5 =	simm.s32 @p1 $0x1;
	p0 =	seq.s32 s7, s2  }
0x1e: {  	s7 =	smul.u32 @!p0 $0xF7A, s2;
	p2 =	seq.s32 @!p0 s5, $0x0  }
0x1f: {  	s9 =	smul.u32 $0xF7A, s1;
	s8 =	simm.s32 @!p0 $0x1BF5;
	p2 =	por !p2, p0  }
0x20: {  	[sflag:s8] =	ssyncset.s32 @!p0 $0xFFFFF086;
	s6 =	sadd.s32 @!p0 s3, s7;
	s7 =	simm.s32 @!p0 $0x108  }
0x21: {  	s3 =	sadd.s32 s3, s9;
	s6 =	sadd.s32 @!p0 $0x88, s6;
	s7 =	simm.s32 @p2 $0x1082  }
0x22: {  	[simem:s7], [sflag:s8] =	dma.local @!p0 [hbm:s6], $0xF7A  }
0x23: {  	s9 =	sor.u32 $0xD0000000, s2;
	s6 =	simm.s32 $0x108;
	_ =	swait.ge @!p0 [sflag:s8], $0x0  }
0x24: {  	s3 =	sadd.s32 $0x88, s3;
	s6 =	simm.s32 @!p1 $0x1082;
	[sflag:s4] =	ssyncset.s32 $0xFFFFF086  }
0x25: {  	[simem:s6], [sflag:s4] =	dma.local [hbm:s3], $0xF7A  }
0x26: {  	[smem:$0x3F9F] =	sst s1;
	(tag) =	ssettag s2;
	_ =	strace s9  }
0x27: {  	s1 =	sld [smem:$0x3FAF]  }
0x28: {  	s2 =	sld [smem:$0x3FB0]  }
0x29: {  	s4 =	sld [smem:$0x3FB2]  }
0x2a: {  	p0 =	seq.s32 s5, $0x0;
	s5 =	sld [smem:$0x3FB3]  }
0x2b: {  	s6 =	sld [smem:$0x3FB4]  }
0x2c: {  	s7 =	sld [smem:$0x3FB5]  }
0x2d: {  	s3 =	simm.s32 $0x108;
	s8 =	sld [smem:$0x3FB6]  }
0x2e: {  	s3 =	simm.s32 @!p0 $0x1082;
	s9 =	sld [smem:$0x3FB7]  }
0x2f: {  	lr =	sadd.s32 s0, s3;
	s0 =	sld [smem:$0x3FAE]  }
0x30: {  	s3 =	sld [smem:$0x3FB1]  }
0x31: {  	[smem:$0x3FBA] =	sst s10  }
0x32: {  	s10 =	sld [smem:$0x3FB8];
	_ =	sdelay $0x3  }
0x33: {  	p0 =	seq.s32 s10, $0x1;
	s10 =	sld [smem:$0x3FBA];
	_ =	sdelay $0x3  }
0x34: {  	[smem:$0x3FBA] =	sst s10  }
0x35: {  	s10 =	sld [smem:$0x3FB9];
	_ =	sdelay $0x3  }
0x36: {  	p1 =	seq.s32 s10, $0x1;
	s10 =	sld [smem:$0x3FBA];
	_ =	sdelay $0x3  }
0x37: {  	[smem:$0x3FBA] =	sst s10  }
0x38: {  	s10 =	sld [smem:$0x3FBB]  }
0x39: {  	_ = 	snop;
	(pc) =	sbr.ind lr, $3  }
0x3a: {  	_ = 	snop  }
0x3b: {  	_ = 	snop  }
0x3c: {  	p2 =	seq.s32 s10, $0x1;
	s10 =	sld [smem:$0x3FBA]  }
0x3d: {  	_ =	shalt  }
0x3e: {  	_ =	shalt  }
0x3f: {  	_ =	shalt  }
0x40: {  	_ =	shalt  }
0x41: {  	_ =	shalt  }
0x42: {  	_ =	shalt  }
0x43: {  	_ =	shalt  }
0x44: {  	_ =	shalt  }
0x45: {  	_ =	shalt  }
0x46: {  	_ =	shalt  }
0x47: {  	_ =	shalt  }
0x48: {  	_ =	shalt  }
0x49: {  	_ =	shalt  }
0x4a: {  	_ =	shalt  }
0x4b: {  	_ =	shalt  }
0x4c: {  	_ =	shalt  }
0x4d: {  	_ =	shalt  }
0x4e: {  	_ =	shalt  }
0x4f: {  	_ =	shalt  }
0x50: {  	_ =	shalt  }
0x51: {  	_ =	shalt  }
0x52: {  	_ =	shalt  }
0x53: {  	_ =	shalt  }
0x54: {  	_ =	shalt  }
0x55: {  	_ =	shalt  }
0x56: {  	_ =	shalt  }
0x57: {  	_ =	shalt  }
0x58: {  	_ =	shalt  }
0x59: {  	_ =	shalt  }
0x5a: {  	_ =	shalt  }
0x5b: {  	_ =	shalt  }
0x5c: {  	_ =	shalt  }
0x5d: {  	_ =	shalt  }
0x5e: {  	_ =	shalt  }
0x5f: {  	_ =	shalt  }
0x60: {  	_ =	shalt  }
0x61: {  	_ =	shalt  }
0x62: {  	_ =	shalt  }
0x63: {  	_ =	shalt  }
0x64: {  	_ =	shalt  }
0x65: {  	_ =	shalt  }
0x66: {  	_ =	shalt  }
0x67: {  	_ =	shalt  }
0x68: {  	_ =	shalt  }
0x69: {  	_ =	shalt  }
0x6a: {  	_ =	shalt  }
0x6b: {  	_ =	shalt  }
0x6c: {  	_ =	shalt  }
0x6d: {  	_ =	shalt  }
0x6e: {  	_ =	shalt  }
0x6f: {  	_ =	shalt  }
0x70: {  	_ =	shalt  }
0x71: {  	_ =	shalt  }
0x72: {  	_ =	shalt  }
0x73: {  	_ =	shalt  }
0x74: {  	_ =	shalt  }
0x75: {  	_ =	shalt  }
0x76: {  	_ =	shalt  }
0x77: {  	_ =	shalt  }
0x78: {  	_ =	shalt  }
0x79: {  	_ =	shalt  }
0x7a: {  	_ =	shalt  }
0x7b: {  	_ =	shalt  }
0x7c: {  	_ =	shalt  }
0x7d: {  	_ =	shalt  }
0x7e: {  	_ =	shalt  }
0x7f: {  	_ =	shalt  }
0x80: {  	_ =	shalt  }
0x81: {  	_ =	shalt  }
0x82: {  	_ =	shalt  }
0x83: {  	_ =	shalt  }
0x84: {  	_ =	shalt  }
0x85: {  	_ =	shalt  }
0x86: {  	_ =	shalt  }
0x87: {  	_ =	shalt  }
.Lfunc_end0:
.L_simem_size_0:
called_computation_lowered:
.L_overlay_start_0:
0x88: {  	s2 =	sld [smem:$0x3FD9]  }
0x89: {  	s3 =	sld [smem:$0x3FFE];
	_ =	sdelay $0x1  }
0x8a: {  	s1 =	srdreg.scid  }
0x8b: {  	s0 =	sand.u32 $0x1, s1  }
0x8c: {  	s14 =	sshll.u32 s0, $0xA;
	s2 =	sadd.s32 s3, s2  }
0x8d: {  	s2 =	sadd.s32 s2, s14  }
0x8e: {  	[smem:$0x3FC6] =	sst s2  }
0x8f: {  	_ = 	snop  }
0x90: {  	s2 =	sld [smem:$0x3FD0];
	_ =	sdelay $0x2  }
0x91: {  	s15 =	simm.s32 $0xA;
	s4 =	simm.s32 $0x10  }
0x92: {  	[smem:s4], [sflag:s15] =	dma.local [hbm:s2], $0x1  }
0x93: {  	_ =	swait.eq [sflag:s15], $0x1  }
0x94: {  	[sflag:s15] =	ssyncset.done $0x0  }
0x95: {  	s16 =	sld [smem:$0x10];
	[sflag:s15] =	ssyncadd.s32 $0xFFFFFFFF  }
0x96: {  	s17 =	sld [smem:$0x12];
	(tm) =	ssettm $0x1  }
0x97: {  	s18 =	sld [smem:$0x3FFB];
	_ =	sdelay $0x3  }
0x98: {  	_ =	strace s18  }
0x99: {  	s4 =	sld [smem:$0x3FFC];
	_ =	sdelay $0x3  }
0x9a: {  	_ =	strace s4  }
0x9b: {  	s4 =	sld [smem:$0x3FFD];
	_ =	sdelay $0x3  }
0x9c: {  	_ =	strace s4  }
0x9d: {  	_ =	strace $0x8FFFFFFF  }
0x9e: {  	s19 =	sld [smem:$0x3FDB];
	_ =	sdelay $0x1  }
0x9f: {  	s5 =	simm.s32 $_scs_section_size  }
0xa0: {  	s6 =	simm.s32 $_size__tile_overlayer_lowered;
	s7 =	simm.s32 $_tile_overlayer_lowered  }
0xa1: {  	s22 =	simm.s32 $0x1BFF;
	s21 =	sshll.u32 s7, $0x1;
	s4 =	sadd.s32 s5, s19  }
0xa2: {  	s8 =	simm.s32 $0x0;
	s20 =	sshll.u32 s6, $0x1;
	s6 =	sadd.s32 s21, s4  }
0xa3: {  	[timem:s8], [sflag:s22] =	dma.local [hbm:s6], s20  }
0xa4: {  	_ =	swait.ge [sflag:s22], s20  }
0xa5: {  	s5 =	ssub.s32 $0x0, s20;
	[sflag:s22] =	ssyncset.done $0x0  }
0xa6: {  	[sflag:s22] =	ssyncadd.s32 s5;
	_ =	sdelay $0x1  }
0xa7: {  	s23 =	simm.s32 $0x1B8B  }
0xa8: {  	_ =	swait.ge [sflag:s23], $0x1  }
0xa9: {  	[sflag:s23] =	ssyncset.done $0x0  }
0xaa: {  	s25 =	simm.s32 $0x1B8E;
	s24 =	sld [smem:$0x3FFE];
	[sflag:s23] =	ssyncadd.s32 $0xFFFFFFFF  }
0xab: {  	s26 =	simm.s32 $execute0_lowered;
	[smem:$0x3FD2] =	sst s25  }
0xac: {  	s6 =	sshll.u32 s26, $0x1;
	_ =	strace $0x80000046;
	[dreg:$0x1] =	wrdreg $0xFFFFFFFF  }
0xad: {  	s28 =	simm.s32 $_size_execute0_lowered;
	s4 =	sadd.s32 s4, s6;
	[dreg:$0x0] =	wrdreg $0x0  }
0xae: {  	s6 =	sshll.u32 s28, $0x1;
	[dreg:$0x2] =	wrdreg s4  }
0xaf: {  	[dreg:$0x3] =	wrdreg s6  }
0xb0: {  	[dreg:$0x4] =	wrdreg $0xC0  }
0xb1: {  	_ =	task [dreg:s8], $0x5FFFF  }
0xb2: {  	[dreg:$0x1] =	wrdreg $0xFFFFFFFF  }
0xb3: {  	[dreg:$0x0] =	wrdreg $0x60  }
0xb4: {  	[dreg:$0x2] =	wrdreg s24  }
0xb5: {  	[dreg:$0x3] =	wrdreg s17  }
0xb6: {  	[dreg:$0x4] =	wrdreg s16  }
0xb7: {  	[dreg:$0x5] =	wrdreg $0x9  }
0xb8: {  	_ =	task.clear_ibuf [dreg:s8], $0x6FFFF;
	_ =	strace $0x90000046  }
0xb9: {  	s29 =	simm.s32 $0x9;
	_ =	strace $0x80000048  }
0xba: {  	_ =	swait.ge [sflag:s29], $0x1  }
0xbb: {  	[sflag:s29] =	ssyncadd.s32 $0xFFFFFFFF  }
0xbc: {  	_ =	strace $0x90000048  }
0xbd: {  	_ =	sfence  }
0xbe: {  	s30 =	sld [smem:$0x0];
	_ =	sdelay $0x2  }
0xbf: {  	s31 =	sshll.u32 s1, $0xD;
	s1 =	sshrl.u32 s1, $0x2  }
0xc0: {  	s3 =	sand.u32 $0x4000, s31;
	s1 =	sadd.s32 s1, s30  }
0xc1: {  	s0 =	sor.u32 s3, s0;
	s1 =	sshll.u32 s1, $0x11  }
0xc2: {  	s0 =	sor.u32 s1, s0  }
0xc3: {  	s0 =	sadd.s32 $0x8F2B, s0  }
0xc4: {  	[sflag:s0] =	ssyncadd.remote.s32 $0x1  }
0xc5: {  	_ =	sfence.sel $0xFFFF  }
0xc6: {  	[dreg:$0x0] =	wrdreg $0xFFFFFFFF;
	(pc) =	sbr.abs _section_cstart, $3  }
0xc7: {  	[dreg:$0x1] =	wrdreg $0xFFFFFFFF  }
0xc8: {  	_ =	task.clear_ibuf [dreg:s8], $0x2FFFF;
	_ =	strace $0x9FFFFFFF  }
0xc9: {  	(tm) =	ssettm $0x7FFFFFFF  }
tec
execute0_lowered:
.L_overlay_start_1:
0x0: {  	(tag) =	ssettag $0x1  }
0x1: {  	s1 =	rddreg [dreg:$0x0];
	s2 =	srdreg.scid  }
0x2: {  	s9 =	rddreg [dreg:$0x1];
	s0 =	stileid.u32;
	s10 =	sand.u32 $0x1, s2  }
0x3: {  	s11 =	rddreg [dreg:$0x2];
	s4 =	sshll.u32 s0, $0xB;
	s5 =	sshll.u32 s10, $0xA  }
0x4: {  	s3 =	simm.s32 $0x0;
	s2 =	rddreg [dreg:$0x3];
	s12 =	sor.u32 s5, s4  }
0x5: {  	[smem:$0x7FF] =	sst s3;
	s4 =	sshrl.u32 s12, $0x3  }
0x6: {  	_ =	strace $0x80000047;
	s5 =	sadd.s32 s9, s4;
	s4 =	simm.s32 $0x2  }
0x7: {  	[tilespmem:s3], [sflag:$0x2] =	stream.linear.gather [hbm4b:s5+s3], $0x200, $0x38;
	[tilespmem:$0x10200] =	vst v63  }
0x8: {  	_ =	swait.ge [sflag:s4], $0x200  }
0x9: {  	[sflag:s4] =	ssyncset.done $0x0  }
0xa: {  	s6 =	simm.s32 $0x200;
	s7 =	simm.s32 $0x1;
	[sflag:s4] =	ssyncadd.s32 $0xFFFFFE00  }
0xb: {  	[tilespmem:s6], [sflag:$0x1] =	stream.indirect.gather [hbm4b:s1+s6], $0x80, s3, s6, $0xb8;
	[tilespmem:$0x10200] =	vst v63  }
0xc: {  	_ =	swait.ge [sflag:s7], $0x10000  }
0xd: {  	s8 =	sshll.u32 s12, $0x4;
	[sflag:s7] =	ssyncset.done $0x0  }
0xe: {  	s8 =	sadd.s32 s11, s8;
	[sflag:s7] =	ssyncadd.s32 $0xFFFF0000  }
0xf: {  	[hbm4b:s8+s3] =	stream.linear.scatter [tilespmem:s6], [sflag:$0x2], $0x10000, $0x38;
	[tilespmem:$0x10200] =	vst v63  }
0x10: {  	s12 =	sor.u32 $0x200, s12;
	_ =	swait.ge [sflag:s4], $0x10000  }
0x11: {  	s13 =	sshrl.u32 s12, $0x3;
	[sflag:s4] =	ssyncset.done $0x0  }
0x12: {  	s10 =	ssub.s32 $0x2, s10;
	s9 =	sadd.s32 s9, s13;
	[sflag:s4] =	ssyncadd.s32 $0xFFFF0000  }
0x13: {  	[tilespmem:s3], [sflag:$0x2] =	stream.linear.gather [hbm4b:s9+s3], $0x200, $0x38;
	[tilespmem:$0x10200] =	vst v63  }
0x14: {  	s29 =	sshrl.u32 s10, $0x1;
	_ =	swait.ge [sflag:s4], $0x200  }
0x15: {  	s13 =	ssub.s32 s10, s29;
	[sflag:s4] =	ssyncset.done $0x0  }
0x16: {  	s31 =	smax.u32 s13, $0x1;
	[sflag:s4] =	ssyncadd.s32 $0xFFFFFE00  }
0x17: {  	[tilespmem:s6], [sflag:$0x1] =	stream.indirect.gather [hbm4b:s1+s6], $0x80, s3, s6, $0xb8;
	[tilespmem:$0x10200] =	vst v63  }
0x18: {  	p0 =	sne.s32 s31, $0x1;
	_ =	swait.ge [sflag:s7], $0x10000  }
.Ltmp0:
0x19: {  	s30 =	sshll.u32 s12, $0x4;
	[sflag:s7] =	ssyncset.done $0x0;
	(pc) =	sbr.rel @!p0 .LBB2_2-.Ltmp0, $4  }
0x1a: {  	s10 =	sadd.s32 s11, s30;
	[sflag:s7] =	ssyncadd.s32 $0xFFFF0000  }
0x1b: {  	[hbm4b:s10+s3] =	stream.linear.scatter [tilespmem:s6], [sflag:$0x2], $0x10000, $0x38;
	[tilespmem:$0x10200] =	vst v63  }
0x1c: {  	_ =	swait.ge [sflag:s4], $0x10000  }
0x1d: {  	s11 =	sadd.s32 $0xFFFFFFFF, s31;
	[sflag:s4] =	ssyncset.done $0x0  }
.LBB2_1:
0x1e: {  	p0 =	sne.s32 s11, $0x1;
	s11 =	sadd.s32 $0xFFFFFFFF, s11;
	[sflag:s4] =	ssyncadd.s32 $0xFFFF0000  }
0x1f: {  	[tilespmem:s3], [sflag:$0x2] =	stream.linear.gather [hbm4b:s5+s3], $0x200, $0x38;
	[tilespmem:$0x10200] =	vst v63  }
0x20: {  	_ =	swait.ge [sflag:s4], $0x200  }
0x21: {  	[sflag:s4] =	ssyncset.done $0x0  }
0x22: {  	[sflag:s4] =	ssyncadd.s32 $0xFFFFFE00  }
0x23: {  	[tilespmem:s6], [sflag:$0x1] =	stream.indirect.gather [hbm4b:s1+s6], $0x80, s3, s6, $0xb8;
	[tilespmem:$0x10200] =	vst v63  }
0x24: {  	_ =	swait.ge [sflag:s7], $0x10000  }
0x25: {  	[sflag:s7] =	ssyncset.done $0x0  }
0x26: {  	[sflag:s7] =	ssyncadd.s32 $0xFFFF0000  }
0x27: {  	[hbm4b:s8+s3] =	stream.linear.scatter [tilespmem:s6], [sflag:$0x2], $0x10000, $0x38;
	[tilespmem:$0x10200] =	vst v63  }
0x28: {  	_ =	swait.ge [sflag:s4], $0x10000  }
0x29: {  	[sflag:s4] =	ssyncset.done $0x0  }
0x2a: {  	[sflag:s4] =	ssyncadd.s32 $0xFFFF0000  }
0x2b: {  	[tilespmem:s3], [sflag:$0x2] =	stream.linear.gather [hbm4b:s9+s3], $0x200, $0x38;
	[tilespmem:$0x10200] =	vst v63  }
0x2c: {  	_ =	swait.ge [sflag:s4], $0x200  }
0x2d: {  	[sflag:s4] =	ssyncset.done $0x0  }
0x2e: {  	[sflag:s4] =	ssyncadd.s32 $0xFFFFFE00  }
0x2f: {  	[tilespmem:s6], [sflag:$0x1] =	stream.indirect.gather [hbm4b:s1+s6], $0x80, s3, s6, $0xb8;
	[tilespmem:$0x10200] =	vst v63  }
0x30: {  	_ =	swait.ge [sflag:s7], $0x10000  }
.Ltmp1:
0x31: {  	[sflag:s7] =	ssyncset.done $0x0;
	(pc) =	sbr.rel @p0 .LBB2_1-.Ltmp1, $4  }
0x32: {  	[sflag:s7] =	ssyncadd.s32 $0xFFFF0000  }
0x33: {  	[hbm4b:s10+s3] =	stream.linear.scatter [tilespmem:s6], [sflag:$0x2], $0x10000, $0x38;
	[tilespmem:$0x10200] =	vst v63  }
0x34: {  	_ =	swait.ge [sflag:s4], $0x10000  }
0x35: {  	[sflag:s4] =	ssyncset.done $0x0  }
.LBB2_2:
0x36: {  	[sflag:s4] =	ssyncadd.s32 $0xFFFF0000  }
0x37: {  	_ =	sfence.sel $0x180000  }
0x38: {  	[bflag:$0x0] =	sbarrier.arrive $0xFFFF  }
0x39: {  	p0 =	sne.s32 s0, $0x0;
	_ =	strace $0x90000047  }
0x3a: {  	s0 =	sadd.s32 @!p0 $0x100000, s2;
	[bflag:$0x2] =	sbarrier.arrive $0xFFFF  }
0x3b: {  	[sflag:s0] =	ssyncadd.tile.s32 @!p0 $0x1;
	_ =	shalt  }
.Lfunc_end2:
_tile_overlayer_lowered:
.L_overlay_start_2:
0x3c: {  	(tag) =	ssettag $0x2  }
0x3d: {  	s0 =	rddreg [dreg:$0x0];
	s2 =	stileid.u32  }
0x3e: {  	s1 =	rddreg [dreg:$0x1];
	p0 =	sne.s32 s2, $0x0  }
0x3f: {  	s3 =	rddreg [dreg:$0x2];
	[bflag:$0x3] =	sbarrier.arrive $0xFFFF;
	s2 =	simm.s32 @!p0 $0x1C02  }
0x40: {  	[timem:s3], [sflag:s2] =	dma.local @!p0 [hbm:s0], s1  }
0x41: {  	s0 =	simm.s32 @!p0 $0x2  }
0x42: {  	_ =	swait.ge @!p0 [sflag:s0], s1  }
0x43: {  	s1 =	ssub.s32 @!p0 $0x0, s1;
	[sflag:s0] =	ssyncset.done @!p0 $0x0  }
0x44: {  	[sflag:s0] =	ssyncadd.s32 @!p0 s1  }
0x45: {  	[bflag:$0x3] =	sbarrier.arrive $0xFFFF  }
0x46: {  	_ =	shalt  }

</sc_bundles>
